<compile_context>
chip_gen: v7x
topology: tpu7x:2x2x1
jax: 0.10.2.dev20260603
libtpu: 0.0.44.dev20260713+nightly
codegen_flags: <defaults>
</compile_context>

<pallas_src>
import functools

import jax
import jax.numpy as jnp
from jax import lax
from jax.experimental import pallas as pl
from jax.experimental.pallas import tpu as pltpu
from jax.experimental.pallas import tpu_sc as plsc

LN_EPS = 1e-12
CHUNK = 128


def _sc_gather(ids2d, table):
    n_chunks, _ = ids2d.shape
    _, emb = table.shape
    info = plsc.get_sparse_core_info()
    nc, ns = info.num_cores, info.num_subcores
    nw = nc * ns
    assert n_chunks % nw == 0
    cpw = n_chunks // nw
    n_tok = n_chunks * CHUNK
    ids3d = ids2d.reshape(nw, cpw, CHUNK)

    mesh = plsc.VectorSubcoreMesh(core_axis_name="c", subcore_axis_name="s")

    @functools.partial(
        pl.kernel,
        mesh=mesh,
        out_type=jax.ShapeDtypeStruct((n_tok, emb), table.dtype),
        scratch_types=[
            pltpu.VMEM((cpw, CHUNK), jnp.int32),
            pltpu.VMEM((CHUNK, emb), table.dtype),
            pltpu.VMEM((CHUNK, emb), table.dtype),
            pltpu.SemaphoreType.DMA,
            pltpu.SemaphoreType.DMA,
        ],
    )
    def gather_kernel(ids_hbm, table_hbm, out_hbm, idx_v, buf0, buf1, sem0, sem1):
        wid = lax.axis_index("s") * nc + lax.axis_index("c")
        row0 = wid * cpw * CHUNK
        pltpu.sync_copy(ids_hbm.at[wid], idx_v)

        def gather(j, buf, sem):
            return pltpu.make_async_copy(table_hbm.at[idx_v.at[j]], buf, sem)

        gather(0, buf0, sem0).start()

        def body(i, carry):
            j2 = 2 * i
            gather(j2 + 1, buf1, sem1).start()
            gather(j2, buf0, sem0).wait()
            pltpu.sync_copy(buf0, out_hbm.at[pl.ds(row0 + j2 * CHUNK, CHUNK)])

            @pl.when(j2 + 2 < cpw)
            def _():
                gather(j2 + 2, buf0, sem0).start()

            gather(j2 + 1, buf1, sem1).wait()
            pltpu.sync_copy(buf1, out_hbm.at[pl.ds(row0 + (j2 + 1) * CHUNK, CHUNK)])
            return carry

        lax.fori_loop(0, cpw // 2, body, 0)
        if cpw % 2 == 1:
            gather(cpw - 1, buf0, sem0).wait()
            pltpu.sync_copy(buf0, out_hbm.at[pl.ds(row0 + (cpw - 1) * CHUNK, CHUNK)])

    return gather_kernel(ids3d, table)


def _tc_stage(x3, pos, w, b, total_rows, row_offset, n_rows, prev=None, rows_per_step=16):
    n_tok, emb = x3.shape
    seq = pos.shape[0]
    hid = w.shape[1]
    r = rows_per_step
    assert row_offset % r == 0 and n_rows % r == 0
    assert n_rows * seq <= n_tok
    base = row_offset // r

    def body(*refs):
        x_ref, pos_ref, w_ref, b_ref, o_ref = refs[-5:]
        x = x_ref[...].astype(jnp.float32).reshape(r, seq, emb) + pos_ref[...]
        mean = jnp.mean(x, axis=-1, keepdims=True)
        msq = jnp.mean(x * x, axis=-1, keepdims=True)
        var = msq - mean * mean
        y = (x - mean) * lax.rsqrt(var + LN_EPS)
        res = jnp.dot(
            y.reshape(r * seq, emb), w_ref[...], preferred_element_type=jnp.float32
        )
        o_ref[...] = res.reshape(r, seq, hid) + b_ref[...]

    in_specs = [
        pl.BlockSpec((r * seq, emb), lambda i: (i, 0)),
        pl.BlockSpec((1, seq, emb), lambda i: (0, 0, 0)),
        pl.BlockSpec((emb, hid), lambda i: (0, 0)),
        pl.BlockSpec((1, 1, hid), lambda i: (0, 0, 0)),
    ]
    args = [x3, pos[None], w, b[None]]
    io_alias = {}
    if prev is not None:
        in_specs = [pl.BlockSpec(memory_space=pl.ANY)] + in_specs
        args = [prev] + args
        io_alias = {0: 0}
    return pl.pallas_call(
        body,
        grid=(n_rows // r,),
        in_specs=in_specs,
        out_specs=pl.BlockSpec((r, seq, hid), lambda i: (base + i, 0, 0)),
        out_shape=jax.ShapeDtypeStruct((total_rows, seq, hid), jnp.float32),
        input_output_aliases=io_alias,
    )(*args)


def kernel(input_ids, word_emb, pos_emb, ln_scale, ln_bias, kernel, bias):
    bsz, seq = input_ids.shape
    emb = word_emb.shape[1]
    hid = kernel.shape[1]

    ids2d = input_ids.reshape(-1, CHUNK).astype(jnp.int32)

    w2 = ln_scale[:, None] * kernel
    b2 = (ln_bias @ kernel + bias)[None, :]
    pos = pos_emb[:seq]

    g = _sc_gather(ids2d, word_emb)
    return _tc_stage(g, pos, w2, b2, bsz, 0, bsz)

# --- scband reference (transcript-rebuilt; emitter-appended) ---
"""Pipeline reference for scband-embed-13262859010688 (READ-ONLY COPY).

The authoritative reference and input builder live on the scoring server;
editing this copy changes nothing except your own understanding.
"""

import jax, jax.numpy as jnp
import numpy as np

B, L = 1024, 200
VOCAB = 100000
MAXPOS = 512
E = 128
H = 1024
LAYERNORM_EPSILON = 1e-12


def setup_inputs(seed: int = 0) -> dict:
    key = jax.random.key(seed)
    ks = jax.random.split(key, 5)
    input_ids = jax.random.randint(ks[0], (B, L), 0, VOCAB)
    word_emb = jax.random.normal(ks[1], (VOCAB, E), dtype=jnp.float32) * 0.02
    pos_emb = jax.random.normal(ks[2], (MAXPOS, E), dtype=jnp.float32) * 0.02
    ln_scale = jnp.ones((E,), dtype=jnp.float32)
    ln_bias = jnp.zeros((E,), dtype=jnp.float32)
    kernel = jax.random.normal(ks[3], (E, H), dtype=jnp.float32) * 0.02
    bias = jnp.zeros((H,), dtype=jnp.float32)
    return {
        "input_ids": input_ids,
        "word_emb": word_emb,
        "pos_emb": pos_emb,
        "ln_scale": ln_scale,
        "ln_bias": ln_bias,
        "kernel": kernel,
        "bias": bias,
    }


def reference(input_ids, word_emb, pos_emb, ln_scale, ln_bias, kernel, bias):
    # word embedding lookup (gather)
    seq_length = input_ids.shape[-1]
    position_ids = jnp.arange(seq_length)[None, :]
    word_embeddings = jnp.take(word_emb, input_ids, axis=0)
    position_embeddings = jnp.take(pos_emb, position_ids, axis=0)
    x = word_embeddings + position_embeddings
    # LayerNorm with eps=1e-12 (scale and bias, matching flax nn.LayerNorm defaults)
    mean = jnp.mean(x, axis=-1, keepdims=True)
    var = jnp.mean(jnp.square(x - mean), axis=-1, keepdims=True)
    y = (x - mean) / jnp.sqrt(var + LAYERNORM_EPSILON)
    y = y * ln_scale + ln_bias
    # embedding_hidden_mapping Dense (hidden_size=1024)
    out = jnp.dot(y, kernel) + bias
    # Dropout with deterministic=True is identity
    return out

if __name__ == "__main__":
    import jax
    _d = setup_inputs()
    print(jax.jit(kernel)(*tuple(_d.values())))

</pallas_src>

<mosaic_0001>
#map = affine_map<(d0, d1) -> (0, 0, 0)>
#map1 = affine_map<(d0, d1) -> (0, 0)>
module attributes {stable_mosaic.version = 14 : i64} {
  func.func @gather_kernel(%arg0: i32, %arg1: i32, %arg2: memref<32x50x128xi32, #tpu.memory_space<hbm>>, %arg3: memref<100000x128xf32, #tpu.memory_space<hbm>>, %arg4: memref<204800x128xf32, #tpu.memory_space<hbm>>, %arg5: memref<50x128xi32, #tpu.memory_space<vmem>>, %arg6: memref<128x128xf32, #tpu.memory_space<vmem>>, %arg7: memref<128x128xf32, #tpu.memory_space<vmem>>, %arg8: memref<!tpu.dma_semaphore, #tpu.memory_space<semaphore_mem>>, %arg9: memref<!tpu.dma_semaphore, #tpu.memory_space<semaphore_mem>>) attributes {dimension_semantics = [#tpu.dimension_semantics<core_parallel>, #tpu.dimension_semantics<subcore_parallel>], iteration_bounds = array<i64: 2, 16>, scalar_prefetch = 0 : i64, scratch_operands = 5 : i64, tpu.core_type = #tpu.core_type<sc_vector_subcore>, window_params = [{transform_indices = #map}, {transform_indices = #map1}, {transform_indices = #map1}]} {
    %mul3A = arith.constant 2 : i32
    %mul3A_0 = arith.muli %arg1, %mul3A : i32
    %add3A = arith.addi %mul3A_0, %arg0 : i32
    %mul3A_1 = arith.constant 50 : i32
    %mul3A_2 = arith.muli %add3A, %mul3A_1 : i32
    %mul3A_3 = arith.constant 128 : i32
    %mul3A_4 = arith.muli %mul3A_2, %mul3A_3 : i32
    "tpu.region"() ({
      %run_scoped3A = tpu.sem_alloc : memref<!tpu.dma_semaphore, #tpu.memory_space<semaphore_mem>>
      %dma_start3A_16 = arith.constant 0 : i32
      %dma_start3A_17 = arith.constant 0 : i32
      %dma_start3A_18 = tpu.memref_slice %arg2[%add3A, %dma_start3A_16, %dma_start3A_17] : memref<32x50x128xi32, #tpu.memory_space<hbm>> -> memref<1x50x128xi32, #tpu.memory_space<hbm>>
      %dma_start3A_19 = tpu.memref_squeeze %dma_start3A_18 : memref<1x50x128xi32, #tpu.memory_space<hbm>> -> memref<50x128xi32, #tpu.memory_space<hbm>>
      %dma_start3A_20 = arith.constant 0 : i32
      %dma_start3A_21 = arith.constant 0 : i32
      %dma_start3A_22 = tpu.memref_slice %arg2[%add3A, %dma_start3A_20, %dma_start3A_21] : memref<32x50x128xi32, #tpu.memory_space<hbm>> -> memref<1x50x128xi32, #tpu.memory_space<hbm>>
      %dma_start3A_23 = tpu.memref_squeeze %dma_start3A_22 : memref<1x50x128xi32, #tpu.memory_space<hbm>> -> memref<50x128xi32, #tpu.memory_space<hbm>>
      tpu.enqueue_dma source(%dma_start3A_23 : memref<50x128xi32, #tpu.memory_space<hbm>>) target(%arg5 : memref<50x128xi32, #tpu.memory_space<vmem>>) target_semaphore(%run_scoped3A : memref<!tpu.dma_semaphore, #tpu.memory_space<semaphore_mem>>)
      %dma_wait3A = arith.constant 0 : i32
      %dma_wait3A_24 = arith.constant 0 : i32
      %dma_wait3A_25 = tpu.memref_slice %arg2[%add3A, %dma_wait3A, %dma_wait3A_24] : memref<32x50x128xi32, #tpu.memory_space<hbm>> -> memref<1x50x128xi32, #tpu.memory_space<hbm>>
      %dma_wait3A_26 = tpu.memref_squeeze %dma_wait3A_25 : memref<1x50x128xi32, #tpu.memory_space<hbm>> -> memref<50x128xi32, #tpu.memory_space<hbm>>
      %dma_wait3A_27 = arith.constant 0 : i32
      %dma_wait3A_28 = arith.constant 0 : i32
      %dma_wait3A_29 = tpu.memref_slice %arg2[%add3A, %dma_wait3A_27, %dma_wait3A_28] : memref<32x50x128xi32, #tpu.memory_space<hbm>> -> memref<1x50x128xi32, #tpu.memory_space<hbm>>
      %dma_wait3A_30 = tpu.memref_squeeze %dma_wait3A_29 : memref<1x50x128xi32, #tpu.memory_space<hbm>> -> memref<50x128xi32, #tpu.memory_space<hbm>>
      tpu.wait_dma2 semaphore(%run_scoped3A : memref<!tpu.dma_semaphore, #tpu.memory_space<semaphore_mem>>) src(%dma_wait3A_30 : memref<50x128xi32, #tpu.memory_space<hbm>>) dst(%arg5 : memref<50x128xi32, #tpu.memory_space<vmem>>)
      tpu.yield
    }) : () -> ()
    %dma_start3A = arith.constant 0 : i32
    %dma_start3A_5 = arith.constant 0 : i32
    %dma_start3A_6 = tpu.memref_slice %arg5[%dma_start3A, %dma_start3A_5] : memref<50x128xi32, #tpu.memory_space<vmem>> -> memref<1x128xi32, #tpu.memory_space<vmem>>
    %dma_start3A_7 = tpu.memref_squeeze %dma_start3A_6 : memref<1x128xi32, #tpu.memory_space<vmem>> -> memref<128xi32, #tpu.memory_space<vmem>>
    %dma_start3A_8 = arith.constant 0 : i32
    %dma_start3A_9 = arith.constant 0 : i32
    %dma_start3A_10 = tpu.memref_slice %arg3[%dma_start3A_8, %dma_start3A_9] : memref<100000x128xf32, #tpu.memory_space<hbm>> -> memref<100000x128xf32, #tpu.memory_space<hbm>>
    tpu.enqueue_indirect_dma source(%dma_start3A_10 : memref<100000x128xf32, #tpu.memory_space<hbm>>) target(%arg6 : memref<128x128xf32, #tpu.memory_space<vmem>>) offsets(%dma_start3A_7 : memref<128xi32, #tpu.memory_space<vmem>>) semaphore(%arg8 : memref<!tpu.dma_semaphore, #tpu.memory_space<semaphore_mem>>)
    %scan3A = arith.constant 0 : i32
    %scan3A_11 = arith.constant 0 : i32
    %scan3A_12 = arith.constant 25 : i32
    %scan3A_13 = arith.addi %scan3A_11, %scan3A_12 : i32
    %scan3A_14 = arith.constant 1 : i32
    scf.for %scan3A_16 = %scan3A_11 to %scan3A_13 step %scan3A_14  : i32 {
      %mul3A_17 = arith.constant 2 : i32
      %mul3A_18 = arith.muli %mul3A_17, %scan3A_16 : i32
      %add3A_19 = arith.constant 1 : i32
      %add3A_20 = arith.addi %mul3A_18, %add3A_19 : i32
      %dma_start3A_21 = arith.constant 0 : i32
      %dma_start3A_22 = tpu.memref_slice %arg5[%add3A_20, %dma_start3A_21] : memref<50x128xi32, #tpu.memory_space<vmem>> -> memref<1x128xi32, #tpu.memory_space<vmem>>
      %dma_start3A_23 = tpu.memref_squeeze %dma_start3A_22 : memref<1x128xi32, #tpu.memory_space<vmem>> -> memref<128xi32, #tpu.memory_space<vmem>>
      %dma_start3A_24 = arith.constant 0 : i32
      %dma_start3A_25 = arith.constant 0 : i32
      %dma_start3A_26 = tpu.memref_slice %arg3[%dma_start3A_24, %dma_start3A_25] : memref<100000x128xf32, #tpu.memory_space<hbm>> -> memref<100000x128xf32, #tpu.memory_space<hbm>>
      tpu.enqueue_indirect_dma source(%dma_start3A_26 : memref<100000x128xf32, #tpu.memory_space<hbm>>) target(%arg7 : memref<128x128xf32, #tpu.memory_space<vmem>>) offsets(%dma_start3A_23 : memref<128xi32, #tpu.memory_space<vmem>>) semaphore(%arg9 : memref<!tpu.dma_semaphore, #tpu.memory_space<semaphore_mem>>)
      %dma_wait3A = arith.constant 0 : i32
      %dma_wait3A_27 = tpu.memref_slice %arg5[%mul3A_18, %dma_wait3A] : memref<50x128xi32, #tpu.memory_space<vmem>> -> memref<1x128xi32, #tpu.memory_space<vmem>>
      %dma_wait3A_28 = tpu.memref_squeeze %dma_wait3A_27 : memref<1x128xi32, #tpu.memory_space<vmem>> -> memref<128xi32, #tpu.memory_space<vmem>>
      %dma_wait3A_29 = arith.constant 0 : i32
      %dma_wait3A_30 = arith.constant 0 : i32
      %dma_wait3A_31 = tpu.memref_slice %arg3[%dma_wait3A_29, %dma_wait3A_30] : memref<100000x128xf32, #tpu.memory_space<hbm>> -> memref<100000x128xf32, #tpu.memory_space<hbm>>
      tpu.wait_indirect_dma semaphore(%arg8 : memref<!tpu.dma_semaphore, #tpu.memory_space<semaphore_mem>>) src(%dma_wait3A_31 : memref<100000x128xf32, #tpu.memory_space<hbm>>) dst(%arg6 : memref<128x128xf32, #tpu.memory_space<vmem>>)
      %mul3A_32 = arith.constant 128 : i32
      %mul3A_33 = arith.muli %mul3A_18, %mul3A_32 : i32
      %add3A_34 = arith.addi %mul3A_4, %mul3A_33 : i32
      "tpu.region"() ({
        %run_scoped3A = tpu.sem_alloc : memref<!tpu.dma_semaphore, #tpu.memory_space<semaphore_mem>>
        %dma_start3A_52 = arith.constant 0 : i32
        %dma_start3A_53 = tpu.memref_slice %arg4[%add3A_34, %dma_start3A_52] : memref<204800x128xf32, #tpu.memory_space<hbm>> -> memref<128x128xf32, #tpu.memory_space<hbm>>
        %dma_start3A_54 = arith.constant 0 : i32
        %dma_start3A_55 = tpu.memref_slice %arg4[%add3A_34, %dma_start3A_54] : memref<204800x128xf32, #tpu.memory_space<hbm>> -> memref<128x128xf32, #tpu.memory_space<hbm>>
        tpu.enqueue_dma source(%arg6 : memref<128x128xf32, #tpu.memory_space<vmem>>) target(%dma_start3A_55 : memref<128x128xf32, #tpu.memory_space<hbm>>) target_semaphore(%run_scoped3A : memref<!tpu.dma_semaphore, #tpu.memory_space<semaphore_mem>>)
        %dma_wait3A_56 = arith.constant 0 : i32
        %dma_wait3A_57 = tpu.memref_slice %arg4[%add3A_34, %dma_wait3A_56] : memref<204800x128xf32, #tpu.memory_space<hbm>> -> memref<128x128xf32, #tpu.memory_space<hbm>>
        %dma_wait3A_58 = arith.constant 0 : i32
        %dma_wait3A_59 = tpu.memref_slice %arg4[%add3A_34, %dma_wait3A_58] : memref<204800x128xf32, #tpu.memory_space<hbm>> -> memref<128x128xf32, #tpu.memory_space<hbm>>
        tpu.wait_dma2 semaphore(%run_scoped3A : memref<!tpu.dma_semaphore, #tpu.memory_space<semaphore_mem>>) src(%arg6 : memref<128x128xf32, #tpu.memory_space<vmem>>) dst(%dma_wait3A_59 : memref<128x128xf32, #tpu.memory_space<hbm>>)
        tpu.yield
      }) : () -> ()
      %add3A_35 = arith.constant 2 : i32
      %add3A_36 = arith.addi %mul3A_18, %add3A_35 : i32
      %lt3A = arith.constant 50 : i32
      %lt3A_37 = arith.cmpi slt, %add3A_36, %lt3A : i32
      %convert_element_type3A = arith.extui %lt3A_37 : i1 to i32
      %cond3A = arith.constant 0 : i32
      %cond3A_38 = arith.cmpi ne, %convert_element_type3A, %cond3A : i32
      scf.if %cond3A_38 {
        %add3A_52 = arith.constant 2 : i32
        %add3A_53 = arith.addi %mul3A_18, %add3A_52 : i32
        %dma_start3A_54 = arith.constant 0 : i32
        %dma_start3A_55 = tpu.memref_slice %arg5[%add3A_53, %dma_start3A_54] : memref<50x128xi32, #tpu.memory_space<vmem>> -> memref<1x128xi32, #tpu.memory_space<vmem>>
        %dma_start3A_56 = tpu.memref_squeeze %dma_start3A_55 : memref<1x128xi32, #tpu.memory_space<vmem>> -> memref<128xi32, #tpu.memory_space<vmem>>
        %dma_start3A_57 = arith.constant 0 : i32
        %dma_start3A_58 = arith.constant 0 : i32
        %dma_start3A_59 = tpu.memref_slice %arg3[%dma_start3A_57, %dma_start3A_58] : memref<100000x128xf32, #tpu.memory_space<hbm>> -> memref<100000x128xf32, #tpu.memory_space<hbm>>
        tpu.enqueue_indirect_dma source(%dma_start3A_59 : memref<100000x128xf32, #tpu.memory_space<hbm>>) target(%arg6 : memref<128x128xf32, #tpu.memory_space<vmem>>) offsets(%dma_start3A_56 : memref<128xi32, #tpu.memory_space<vmem>>) semaphore(%arg8 : memref<!tpu.dma_semaphore, #tpu.memory_space<semaphore_mem>>)
      } else {
      }
      %add3A_39 = arith.constant 1 : i32
      %add3A_40 = arith.addi %mul3A_18, %add3A_39 : i32
      %dma_wait3A_41 = arith.constant 0 : i32
      %dma_wait3A_42 = tpu.memref_slice %arg5[%add3A_40, %dma_wait3A_41] : memref<50x128xi32, #tpu.memory_space<vmem>> -> memref<1x128xi32, #tpu.memory_space<vmem>>
      %dma_wait3A_43 = tpu.memref_squeeze %dma_wait3A_42 : memref<1x128xi32, #tpu.memory_space<vmem>> -> memref<128xi32, #tpu.memory_space<vmem>>
      %dma_wait3A_44 = arith.constant 0 : i32
      %dma_wait3A_45 = arith.constant 0 : i32
      %dma_wait3A_46 = tpu.memref_slice %arg3[%dma_wait3A_44, %dma_wait3A_45] : memref<100000x128xf32, #tpu.memory_space<hbm>> -> memref<100000x128xf32, #tpu.memory_space<hbm>>
      tpu.wait_indirect_dma semaphore(%arg9 : memref<!tpu.dma_semaphore, #tpu.memory_space<semaphore_mem>>) src(%dma_wait3A_46 : memref<100000x128xf32, #tpu.memory_space<hbm>>) dst(%arg7 : memref<128x128xf32, #tpu.memory_space<vmem>>)
      %add3A_47 = arith.constant 1 : i32
      %add3A_48 = arith.addi %mul3A_18, %add3A_47 : i32
      %mul3A_49 = arith.constant 128 : i32
      %mul3A_50 = arith.muli %add3A_48, %mul3A_49 : i32
      %add3A_51 = arith.addi %mul3A_4, %mul3A_50 : i32
      "tpu.region"() ({
        %run_scoped3A = tpu.sem_alloc : memref<!tpu.dma_semaphore, #tpu.memory_space<semaphore_mem>>
        %dma_start3A_52 = arith.constant 0 : i32
        %dma_start3A_53 = tpu.memref_slice %arg4[%add3A_51, %dma_start3A_52] : memref<204800x128xf32, #tpu.memory_space<hbm>> -> memref<128x128xf32, #tpu.memory_space<hbm>>
        %dma_start3A_54 = arith.constant 0 : i32
        %dma_start3A_55 = tpu.memref_slice %arg4[%add3A_51, %dma_start3A_54] : memref<204800x128xf32, #tpu.memory_space<hbm>> -> memref<128x128xf32, #tpu.memory_space<hbm>>
        tpu.enqueue_dma source(%arg7 : memref<128x128xf32, #tpu.memory_space<vmem>>) target(%dma_start3A_55 : memref<128x128xf32, #tpu.memory_space<hbm>>) target_semaphore(%run_scoped3A : memref<!tpu.dma_semaphore, #tpu.memory_space<semaphore_mem>>)
        %dma_wait3A_56 = arith.constant 0 : i32
        %dma_wait3A_57 = tpu.memref_slice %arg4[%add3A_51, %dma_wait3A_56] : memref<204800x128xf32, #tpu.memory_space<hbm>> -> memref<128x128xf32, #tpu.memory_space<hbm>>
        %dma_wait3A_58 = arith.constant 0 : i32
        %dma_wait3A_59 = tpu.memref_slice %arg4[%add3A_51, %dma_wait3A_58] : memref<204800x128xf32, #tpu.memory_space<hbm>> -> memref<128x128xf32, #tpu.memory_space<hbm>>
        tpu.wait_dma2 semaphore(%run_scoped3A : memref<!tpu.dma_semaphore, #tpu.memory_space<semaphore_mem>>) src(%arg7 : memref<128x128xf32, #tpu.memory_space<vmem>>) dst(%dma_wait3A_59 : memref<128x128xf32, #tpu.memory_space<hbm>>)
        tpu.yield
      }) : () -> ()
    }
    %scan3A_15 = arith.constant 25 : i32
    return
  }
}

module attributes {stable_mosaic.version = 14 : i64} {
  func.func @body(%arg0: i32, %arg1: memref<3200x128xf32, #tpu.memory_space<vmem>>, %arg2: memref<1x200x128xf32, #tpu.memory_space<vmem>>, %arg3: memref<128x1024xf32, #tpu.memory_space<vmem>>, %arg4: memref<1x1x1024xf32, #tpu.memory_space<vmem>>, %arg5: memref<16x200x1024xf32, #tpu.memory_space<vmem>>) attributes {dimension_semantics = [#tpu.dimension_semantics<arbitrary>], iteration_bounds = array<i64: 64>, scalar_prefetch = 0 : i64, scratch_operands = 0 : i64, tpu.core_type = #tpu.core_type<tc>, window_params = [{transform_indices = @transform_0, window_bounds = array<i64: 3200, 128>}, {pipeline_mode = #tpu.pipeline_mode<synchronous>, transform_indices = @transform_1, window_bounds = array<i64: 1, 200, 128>}, {pipeline_mode = #tpu.pipeline_mode<synchronous>, transform_indices = @transform_2, window_bounds = array<i64: 128, 1024>}, {pipeline_mode = #tpu.pipeline_mode<synchronous>, transform_indices = @transform_3, window_bounds = array<i64: 1, 1, 1024>}, {transform_indices = @transform_4, window_bounds = array<i64: 16, 200, 1024>}]} {
    %get3A = arith.constant 0 : index
    %get3A_0 = arith.constant 0 : index
    %get3A_1 = vector.load %arg1[%get3A, %get3A_0] : memref<3200x128xf32, #tpu.memory_space<vmem>>, vector<3200x128xf32>
    %reshape3A = vector.shape_cast %get3A_1 : vector<3200x128xf32> to vector<16x200x128xf32>
    %get3A_2 = arith.constant 0 : index
    %get3A_3 = arith.constant 0 : index
    %get3A_4 = arith.constant 0 : index
    %get3A_5 = vector.load %arg2[%get3A_2, %get3A_3, %get3A_4] : memref<1x200x128xf32, #tpu.memory_space<vmem>>, vector<1x200x128xf32>
    %add3A = vector.broadcast %get3A_5 : vector<1x200x128xf32> to vector<16x200x128xf32>
    %add3A_6 = arith.addf %reshape3A, %add3A : vector<16x200x128xf32>
    %reduce_sum3A = arith.constant dense<0.000000e+00> : vector<16x200xf32>
    %reduce_sum3A_7 = vector.multi_reduction <add>, %add3A_6, %reduce_sum3A [2] : vector<16x200x128xf32> to vector<16x200xf32>
    %broadcast_in_dim3A = vector.shape_cast %reduce_sum3A_7 : vector<16x200xf32> to vector<16x200x1xf32>
    %div3A = arith.constant 1.280000e+02 : f32
    %div3A_8 = vector.broadcast %div3A : f32 to vector<16x200x1xf32>
    %div3A_9 = arith.divf %broadcast_in_dim3A, %div3A_8 : vector<16x200x1xf32>
    %mul3A = arith.mulf %add3A_6, %add3A_6 : vector<16x200x128xf32>
    %reduce_sum3A_10 = arith.constant dense<0.000000e+00> : vector<16x200xf32>
    %reduce_sum3A_11 = vector.multi_reduction <add>, %mul3A, %reduce_sum3A_10 [2] : vector<16x200x128xf32> to vector<16x200xf32>
    %broadcast_in_dim3A_12 = vector.shape_cast %reduce_sum3A_11 : vector<16x200xf32> to vector<16x200x1xf32>
    %div3A_13 = arith.constant 1.280000e+02 : f32
    %div3A_14 = vector.broadcast %div3A_13 : f32 to vector<16x200x1xf32>
    %div3A_15 = arith.divf %broadcast_in_dim3A_12, %div3A_14 : vector<16x200x1xf32>
    %mul3A_16 = arith.mulf %div3A_9, %div3A_9 : vector<16x200x1xf32>
    %sub3A = arith.subf %div3A_15, %mul3A_16 : vector<16x200x1xf32>
    %sub3A_17 = vector.broadcast %div3A_9 : vector<16x200x1xf32> to vector<16x200x128xf32>
    %sub3A_18 = arith.subf %add3A_6, %sub3A_17 : vector<16x200x128xf32>
    %add3A_19 = arith.constant 9.99999996E-13 : f32
    %add3A_20 = vector.broadcast %add3A_19 : f32 to vector<16x200x1xf32>
    %add3A_21 = arith.addf %sub3A, %add3A_20 : vector<16x200x1xf32>
    %rsqrt3A = math.rsqrt %add3A_21 : vector<16x200x1xf32>
    %mul3A_22 = vector.broadcast %rsqrt3A : vector<16x200x1xf32> to vector<16x200x128xf32>
    %mul3A_23 = arith.mulf %sub3A_18, %mul3A_22 : vector<16x200x128xf32>
    %reshape3A_24 = vector.shape_cast %mul3A_23 : vector<16x200x128xf32> to vector<3200x128xf32>
    %get3A_25 = arith.constant 0 : index
    %get3A_26 = arith.constant 0 : index
    %get3A_27 = vector.load %arg3[%get3A_25, %get3A_26] : memref<128x1024xf32, #tpu.memory_space<vmem>>, vector<128x1024xf32>
    %dot_general3A = arith.constant dense<0.000000e+00> : vector<3200x1024xf32>
    %dot_general3A_28 = tpu.matmul %reshape3A_24, %get3A_27, %dot_general3A {dimension_numbers = #tpu.dot_dimension_numbers<[1], [0], [0], [1], [0, 0, 1, 1], [], []>, transpose_lhs_hint = false} : vector<3200x128xf32>, vector<128x1024xf32>, vector<3200x1024xf32> -> vector<3200x1024xf32>
    %reshape3A_29 = vector.shape_cast %dot_general3A_28 : vector<3200x1024xf32> to vector<16x200x1024xf32>
    %get3A_30 = arith.constant 0 : index
    %get3A_31 = arith.constant 0 : index
    %get3A_32 = arith.constant 0 : index
    %get3A_33 = vector.load %arg4[%get3A_30, %get3A_31, %get3A_32] : memref<1x1x1024xf32, #tpu.memory_space<vmem>>, vector<1x1x1024xf32>
    %add3A_34 = vector.broadcast %get3A_33 : vector<1x1x1024xf32> to vector<16x200x1024xf32>
    %add3A_35 = arith.addf %reshape3A_29, %add3A_34 : vector<16x200x1024xf32>
    %swap3A = arith.constant 0 : index
    %swap3A_36 = arith.constant 0 : index
    %swap3A_37 = arith.constant 0 : index
    %swap3A_38 = vector.load %arg5[%swap3A, %swap3A_36, %swap3A_37] : memref<16x200x1024xf32, #tpu.memory_space<vmem>>, vector<16x200x1024xf32>
    tpu.vector_store %arg5[%swap3A, %swap3A_36, %swap3A_37], %add3A_35 {strides = array<i32>} : memref<16x200x1024xf32, #tpu.memory_space<vmem>>, vector<16x200x1024xf32>,
    return
  }
  func.func @transform_0(%arg0: i32) -> (i32, i32) {
    %c0_i32 = arith.constant 0 : i32
    %c0_i32_0 = arith.constant 0 : i32
    return %arg0, %c0_i32 : i32, i32
  }
  func.func @transform_1(%arg0: i32) -> (i32, i32, i32) {
    %c0_i32 = arith.constant 0 : i32
    %c0_i32_0 = arith.constant 0 : i32
    %c0_i32_1 = arith.constant 0 : i32
    %c0_i32_2 = arith.constant 0 : i32
    return %c0_i32, %c0_i32_0, %c0_i32_1 : i32, i32, i32
  }
  func.func @transform_2(%arg0: i32) -> (i32, i32) {
    %c0_i32 = arith.constant 0 : i32
    %c0_i32_0 = arith.constant 0 : i32
    %c0_i32_1 = arith.constant 0 : i32
    return %c0_i32, %c0_i32_0 : i32, i32
  }
  func.func @transform_3(%arg0: i32) -> (i32, i32, i32) {
    %c0_i32 = arith.constant 0 : i32
    %c0_i32_0 = arith.constant 0 : i32
    %c0_i32_1 = arith.constant 0 : i32
    %c0_i32_2 = arith.constant 0 : i32
    return %c0_i32, %c0_i32_0, %c0_i32_1 : i32, i32, i32
  }
  func.func @transform_4(%arg0: i32) -> (i32, i32, i32) {
    %add3A = arith.constant 0 : i32
    %add3A_0 = arith.addi %add3A, %arg0 : i32
    %c0_i32 = arith.constant 0 : i32
    %c0_i32_1 = arith.constant 0 : i32
    %c0_i32_2 = arith.constant 0 : i32
    return %add3A_0, %c0_i32, %c0_i32_1 : i32, i32, i32
  }
}

</mosaic_0001>

<sc_bundles>
// kernel: kernel.5.cloned.1.call-start
scs
__scs_entry_jumppad:
0x0: {  	(pc) =	sbr.rel $0x88, $3  }
0x1: {  	(tag) =	ssettag $0x0;
	lr =	simm.s32 $0x1  }
0x2: {  	[smem:$0x3F9A] =	sst lr;
	_ =	strace $0xD0000000  }
0x3: {  	_ = 	snop  }
0x4: {  	_ = 	snop  }
0x5: {  	_ = 	snop  }
0x6: {  	_ = 	snop  }
0x7: {  	_ = 	snop  }
__scs_overlays_trampoline_lowered:
0x8: {  	[smem:$0x3FA9] =	sst s0  }
0x9: {  	[smem:$0x3FAA] =	sst s1  }
0xa: {  	[smem:$0x3FAB] =	sst s2  }
0xb: {  	[smem:$0x3FAC] =	sst s3  }
0xc: {  	[smem:$0x3FAD] =	sst s4  }
0xd: {  	[smem:$0x3FAE] =	sst s5  }
0xe: {  	[smem:$0x3FAF] =	sst s6  }
0xf: {  	[smem:$0x3FB0] =	sst s7  }
0x10: {  	[smem:$0x3FB1] =	sst s8  }
0x11: {  	[smem:$0x3FB2] =	sst s9;
	s0 =	simm.s32 @!p0 $0x0  }
0x12: {  	s1 =	sld [smem:$0x3F98];
	s0 =	simm.s32 @p0 $0x1  }
0x13: {  	[smem:$0x3FB3] =	sst s0;
	s0 =	simm.s32 @!p1 $0x0  }
0x14: {  	s2 =	sld [smem:$0x3F97];
	s0 =	simm.s32 @p1 $0x1  }
0x15: {  	[smem:$0x3FB4] =	sst s0;
	s0 =	simm.s32 @!p2 $0x0  }
0x16: {  	s3 =	sld [smem:$0x3FDB];
	s0 =	simm.s32 @p2 $0x1  }
0x17: {  	s4 =	simm.s32 $0x1BF5;
	[smem:$0x3FB6] =	sst s0  }
0x18: {  	s0 =	sld [smem:$0x3F99];
	_ =	swait.ge [sflag:s4], $0x0  }
0x19: {  	s7 =	sld [smem:$0x3F9A]  }
0x1a: {  	s8 =	sadd.s32 $0xFFFFE003, lr  }
0x1b: {  	s9 =	sadd.s32 $0xFFFFFEF7, lr;
	s5 =	simm.s32 $0xFFFFFFFF;
	p2 =	slt.u32 s8, $0xFFFFF086  }
0x1c: {  	p1 =	slt.u32 s9, $0xF7A;
	s5 =	simm.s32 @!p2 $0x0  }
0x1d: {  	s5 =	simm.s32 @p1 $0x1;
	p0 =	seq.s32 s7, s2  }
0x1e: {  	s7 =	smul.u32 @!p0 $0xF7A, s2;
	p2 =	seq.s32 @!p0 s5, $0x0  }
0x1f: {  	s9 =	smul.u32 $0xF7A, s1;
	s8 =	simm.s32 @!p0 $0x1BF5;
	p2 =	por !p2, p0  }
0x20: {  	[sflag:s8] =	ssyncset.s32 @!p0 $0xFFFFF086;
	s6 =	sadd.s32 @!p0 s3, s7;
	s7 =	simm.s32 @!p0 $0x108  }
0x21: {  	s3 =	sadd.s32 s3, s9;
	s6 =	sadd.s32 @!p0 $0x88, s6;
	s7 =	simm.s32 @p2 $0x1082  }
0x22: {  	[simem:s7], [sflag:s8] =	dma.local @!p0 [hbm:s6], $0xF7A  }
0x23: {  	s9 =	sor.u32 $0xD0000000, s2;
	s6 =	simm.s32 $0x108;
	_ =	swait.ge @!p0 [sflag:s8], $0x0  }
0x24: {  	s3 =	sadd.s32 $0x88, s3;
	s6 =	simm.s32 @!p1 $0x1082;
	[sflag:s4] =	ssyncset.s32 $0xFFFFF086  }
0x25: {  	[simem:s6], [sflag:s4] =	dma.local [hbm:s3], $0xF7A  }
0x26: {  	[smem:$0x3F9A] =	sst s1;
	(tag) =	ssettag s2;
	_ =	strace s9  }
0x27: {  	s1 =	sld [smem:$0x3FAA]  }
0x28: {  	s2 =	sld [smem:$0x3FAB]  }
0x29: {  	s4 =	sld [smem:$0x3FAD]  }
0x2a: {  	p0 =	seq.s32 s5, $0x0;
	s5 =	sld [smem:$0x3FAE]  }
0x2b: {  	s6 =	sld [smem:$0x3FAF]  }
0x2c: {  	s7 =	sld [smem:$0x3FB0]  }
0x2d: {  	s3 =	simm.s32 $0x108;
	s8 =	sld [smem:$0x3FB1]  }
0x2e: {  	s3 =	simm.s32 @!p0 $0x1082;
	s9 =	sld [smem:$0x3FB2]  }
0x2f: {  	lr =	sadd.s32 s0, s3;
	s0 =	sld [smem:$0x3FA9]  }
0x30: {  	s3 =	sld [smem:$0x3FAC]  }
0x31: {  	[smem:$0x3FB5] =	sst s10  }
0x32: {  	s10 =	sld [smem:$0x3FB3];
	_ =	sdelay $0x3  }
0x33: {  	p0 =	seq.s32 s10, $0x1;
	s10 =	sld [smem:$0x3FB5];
	_ =	sdelay $0x3  }
0x34: {  	[smem:$0x3FB5] =	sst s10  }
0x35: {  	s10 =	sld [smem:$0x3FB4];
	_ =	sdelay $0x3  }
0x36: {  	p1 =	seq.s32 s10, $0x1;
	s10 =	sld [smem:$0x3FB5];
	_ =	sdelay $0x3  }
0x37: {  	[smem:$0x3FB5] =	sst s10  }
0x38: {  	s10 =	sld [smem:$0x3FB6]  }
0x39: {  	_ = 	snop;
	(pc) =	sbr.ind lr, $3  }
0x3a: {  	_ = 	snop  }
0x3b: {  	_ = 	snop  }
0x3c: {  	p2 =	seq.s32 s10, $0x1;
	s10 =	sld [smem:$0x3FB5]  }
0x3d: {  	_ =	shalt  }
0x3e: {  	_ =	shalt  }
0x3f: {  	_ =	shalt  }
0x40: {  	_ =	shalt  }
0x41: {  	_ =	shalt  }
0x42: {  	_ =	shalt  }
0x43: {  	_ =	shalt  }
0x44: {  	_ =	shalt  }
0x45: {  	_ =	shalt  }
0x46: {  	_ =	shalt  }
0x47: {  	_ =	shalt  }
0x48: {  	_ =	shalt  }
0x49: {  	_ =	shalt  }
0x4a: {  	_ =	shalt  }
0x4b: {  	_ =	shalt  }
0x4c: {  	_ =	shalt  }
0x4d: {  	_ =	shalt  }
0x4e: {  	_ =	shalt  }
0x4f: {  	_ =	shalt  }
0x50: {  	_ =	shalt  }
0x51: {  	_ =	shalt  }
0x52: {  	_ =	shalt  }
0x53: {  	_ =	shalt  }
0x54: {  	_ =	shalt  }
0x55: {  	_ =	shalt  }
0x56: {  	_ =	shalt  }
0x57: {  	_ =	shalt  }
0x58: {  	_ =	shalt  }
0x59: {  	_ =	shalt  }
0x5a: {  	_ =	shalt  }
0x5b: {  	_ =	shalt  }
0x5c: {  	_ =	shalt  }
0x5d: {  	_ =	shalt  }
0x5e: {  	_ =	shalt  }
0x5f: {  	_ =	shalt  }
0x60: {  	_ =	shalt  }
0x61: {  	_ =	shalt  }
0x62: {  	_ =	shalt  }
0x63: {  	_ =	shalt  }
0x64: {  	_ =	shalt  }
0x65: {  	_ =	shalt  }
0x66: {  	_ =	shalt  }
0x67: {  	_ =	shalt  }
0x68: {  	_ =	shalt  }
0x69: {  	_ =	shalt  }
0x6a: {  	_ =	shalt  }
0x6b: {  	_ =	shalt  }
0x6c: {  	_ =	shalt  }
0x6d: {  	_ =	shalt  }
0x6e: {  	_ =	shalt  }
0x6f: {  	_ =	shalt  }
0x70: {  	_ =	shalt  }
0x71: {  	_ =	shalt  }
0x72: {  	_ =	shalt  }
0x73: {  	_ =	shalt  }
0x74: {  	_ =	shalt  }
0x75: {  	_ =	shalt  }
0x76: {  	_ =	shalt  }
0x77: {  	_ =	shalt  }
0x78: {  	_ =	shalt  }
0x79: {  	_ =	shalt  }
0x7a: {  	_ =	shalt  }
0x7b: {  	_ =	shalt  }
0x7c: {  	_ =	shalt  }
0x7d: {  	_ =	shalt  }
0x7e: {  	_ =	shalt  }
0x7f: {  	_ =	shalt  }
0x80: {  	_ =	shalt  }
0x81: {  	_ =	shalt  }
0x82: {  	_ =	shalt  }
0x83: {  	_ =	shalt  }
0x84: {  	_ =	shalt  }
0x85: {  	_ =	shalt  }
0x86: {  	_ =	shalt  }
0x87: {  	_ =	shalt  }
.Lfunc_end0:
.L_simem_size_0:
called_computation_lowered:
.L_overlay_start_0:
0x88: {  	s2 =	sld [smem:$0x3FD9]  }
0x89: {  	s3 =	sld [smem:$0x3FFE];
	_ =	sdelay $0x1  }
0x8a: {  	s1 =	srdreg.scid  }
0x8b: {  	s0 =	sand.u32 $0x1, s1  }
0x8c: {  	s17 =	sshll.u32 s0, $0xA;
	s2 =	sadd.s32 s3, s2  }
0x8d: {  	s2 =	sadd.s32 s2, s17  }
0x8e: {  	[smem:$0x3FC1] =	sst s2  }
0x8f: {  	_ = 	snop  }
0x90: {  	s2 =	sld [smem:$0x3FC8]  }
0x91: {  	s18 =	sld [smem:$0x3FD0];
	(tm) =	ssettm $0x1  }
0x92: {  	s4 =	sld [smem:$0x3FFB];
	_ =	sdelay $0x3  }
0x93: {  	_ =	strace s4  }
0x94: {  	s4 =	sld [smem:$0x3FFC];
	_ =	sdelay $0x3  }
0x95: {  	_ =	strace s4  }
0x96: {  	s4 =	sld [smem:$0x3FFD];
	_ =	sdelay $0x3  }
0x97: {  	_ =	strace s4  }
0x98: {  	_ =	strace $0x8FFFFFFF  }
0x99: {  	s19 =	sld [smem:$0x3FDB];
	_ =	sdelay $0x1  }
0x9a: {  	s5 =	simm.s32 $_scs_section_size  }
0x9b: {  	s6 =	simm.s32 $_size__tile_overlayer_lowered;
	s7 =	simm.s32 $_tile_overlayer_lowered  }
0x9c: {  	s22 =	simm.s32 $0x1BFF;
	s21 =	sshll.u32 s7, $0x1;
	s4 =	sadd.s32 s5, s19  }
0x9d: {  	s8 =	simm.s32 $0x0;
	s20 =	sshll.u32 s6, $0x1;
	s6 =	sadd.s32 s21, s4  }
0x9e: {  	[timem:s8], [sflag:s22] =	dma.local [hbm:s6], s20  }
0x9f: {  	_ =	swait.ge [sflag:s22], s20  }
0xa0: {  	s5 =	ssub.s32 $0x0, s20;
	[sflag:s22] =	ssyncset.done $0x0  }
0xa1: {  	[sflag:s22] =	ssyncadd.s32 s5;
	_ =	sdelay $0x1  }
0xa2: {  	s23 =	simm.s32 $0x1B8B  }
0xa3: {  	_ =	swait.ge [sflag:s23], $0x1  }
0xa4: {  	[sflag:s23] =	ssyncset.done $0x0  }
0xa5: {  	s25 =	simm.s32 $0x1B8E;
	s24 =	sld [smem:$0x3FFE];
	[sflag:s23] =	ssyncadd.s32 $0xFFFFFFFF  }
0xa6: {  	s26 =	simm.s32 $execute0_lowered;
	[smem:$0x3FD2] =	sst s25  }
0xa7: {  	s6 =	sshll.u32 s26, $0x1;
	_ =	strace $0x80000046;
	[dreg:$0x1] =	wrdreg $0xFFFFFFFF  }
0xa8: {  	s28 =	simm.s32 $_size_execute0_lowered;
	s4 =	sadd.s32 s4, s6;
	[dreg:$0x0] =	wrdreg $0x0  }
0xa9: {  	s6 =	sshll.u32 s28, $0x1;
	[dreg:$0x2] =	wrdreg s4  }
0xaa: {  	[dreg:$0x3] =	wrdreg s6  }
0xab: {  	[dreg:$0x4] =	wrdreg $0xC0  }
0xac: {  	_ =	task [dreg:s8], $0x5FFFF  }
0xad: {  	[dreg:$0x1] =	wrdreg $0xFFFFFFFF  }
0xae: {  	[dreg:$0x0] =	wrdreg $0x60  }
0xaf: {  	[dreg:$0x2] =	wrdreg s18  }
0xb0: {  	[dreg:$0x3] =	wrdreg s2  }
0xb1: {  	[dreg:$0x4] =	wrdreg s24  }
0xb2: {  	[dreg:$0x5] =	wrdreg $0x9  }
0xb3: {  	_ =	task.clear_ibuf [dreg:s8], $0x6FFFF;
	_ =	strace $0x90000046  }
0xb4: {  	s29 =	simm.s32 $0x9;
	_ =	strace $0x80000048  }
0xb5: {  	_ =	swait.ge [sflag:s29], $0x1  }
0xb6: {  	[sflag:s29] =	ssyncadd.s32 $0xFFFFFFFF  }
0xb7: {  	_ =	strace $0x90000048  }
0xb8: {  	_ =	sfence  }
0xb9: {  	s30 =	sld [smem:$0x0];
	_ =	sdelay $0x2  }
0xba: {  	s31 =	sshll.u32 s1, $0xD;
	s1 =	sshrl.u32 s1, $0x2  }
0xbb: {  	s3 =	sand.u32 $0x4000, s31;
	s1 =	sadd.s32 s1, s30  }
0xbc: {  	s0 =	sor.u32 s3, s0;
	s1 =	sshll.u32 s1, $0x11  }
0xbd: {  	s0 =	sor.u32 s1, s0  }
0xbe: {  	s0 =	sadd.s32 $0x8F2B, s0  }
0xbf: {  	[sflag:s0] =	ssyncadd.remote.s32 $0x1  }
0xc0: {  	_ =	sfence.sel $0xFFFF  }
0xc1: {  	[dreg:$0x0] =	wrdreg $0xFFFFFFFF;
	(pc) =	sbr.abs _section_cstart, $3  }
0xc2: {  	[dreg:$0x1] =	wrdreg $0xFFFFFFFF  }
0xc3: {  	_ =	task.clear_ibuf [dreg:s8], $0x2FFFF;
	_ =	strace $0x9FFFFFFF  }
0xc4: {  	(tm) =	ssettm $0x7FFFFFFF  }
0xc5: {  	_ =	shalt  }
tec
execute0_lowered:
.L_overlay_start_1:
0x0: {  	(tag) =	ssettag $0x1  }
0x1: {  	s4 =	rddreg [dreg:$0x0]  }
0x2: {  	s1 =	srdreg.scid;
	s2 =	rddreg [dreg:$0x1]  }
0x3: {  	s0 =	stileid.u32;
	s5 =	rddreg [dreg:$0x2]  }
0x4: {  	s3 =	simm.s32 $0x0;
	s14 =	simm.s32 $0x1;
	s25 =	smul.u32 $0x190000, s0  }
0x5: {  	s15 =	simm.s32 $0x2;
	s7 =	sand.u32 $0x1, s1;
	s29 =	smul.u32 $0x32000, s0  }
0x6: {  	s16 =	simm.s32 $0x1880;
	s23 =	sshll.u32 s0, $0x1;
	s28 =	smul.u32 $0xC8000, s7  }
0x7: {  	s1 =	rddreg [dreg:$0x3];
	s6 =	sor.u32 s7, s23;
	s30 =	smul.u32 $0x19000, s7  }
0x8: {  	s17 =	simm.s32 $0x0;
	[smem:$0x7FF] =	sst s3;
	s8 =	smul.u32 $0x380, s6  }
0x9: {  	s13 =	sadd.s32 $0xC00, s5;
	s9 =	ssub.s32 $0x2, s7;
	s10 =	smul.u32 $0xC8000, s6  }
0xa: {  	_ =	strace $0x80000047;
	s11 =	sshrl.u32 s9, $0x1;
	s12 =	smul.u32 $0x19000, s6  }
0xb: {  	s24 =	ssub.s32 s9, s11;
	s11 =	simm.s32 $0x1C00;
	s4 =	sadd.s32 s4, s8  }
0xc: {  	s26 =	sshrl.u32 s10, $0x3;
	s5 =	smax.u32 s24, $0x1;
	s8 =	sadd.s32 s28, s25  }
0xd: {  	s31 =	sadd.s32 s13, s12;
	s10 =	sadd.s32 s29, s13;
	s12 =	simm.s32 $0x80  }
0xe: {  	s6 =	sadd.s32 s13, s26;
	s8 =	sshrl.u32 s8, $0x3;
	s7 =	sadd.s32 $0x18800, s31  }
0xf: {  	s9 =	sadd.s32 s30, s10;
	s10 =	simm.s32 $0x3;
	s6 =	sadd.s32 $0x18000, s6  }
0x10: {  	s8 =	sadd.s32 s8, s13;
	s9 =	sadd.s32 $0x800, s9;
	s13 =	simm.s32 $0x5C00  }
.LBB2_1:
0x11: {  	[tilespmem:s3], [sflag:$0x3] =	stream.linear.gather [hbm4b:s4+s3], $0x1900, $0x38;
	[tilespmem:$0x9C00] =	vst v63  }
0x12: {  	_ =	swait.ge [sflag:s10], $0x1900  }
0x13: {  	[sflag:s10] =	ssyncset.done $0x0  }
0x14: {  	[sflag:s10] =	ssyncadd.s32 $0xFFFFE700  }
0x15: {  	[tilespmem:s11], [sflag:$0x1] =	stream.indirect.gather [hbm4b:s2+s12], $0x80, s3, s12, $0xb8;
	[tilespmem:$0x9C00] =	vst v63  }
0x16: {  	_ = 	snop  }
0x17: {  	[tilespmem:s13], [sflag:$0x2] =	stream.indirect.gather [hbm4b:s2+s12], $0x80, s12, s12, $0xb8;
	[tilespmem:$0x9C00] =	vst v63  }
0x18: {  	_ =	swait.ge [sflag:s14], $0x4000  }
0x19: {  	[sflag:s14] =	ssyncset.done $0x0  }
0x1a: {  	s18 =	sadd.s32 $0x0, s8;
	[sflag:s14] =	ssyncadd.s32 $0xFFFFC000  }
0x1b: {  	[hbm4b:s18+s3] =	stream.linear.scatter [tilespmem:s11], [sflag:$0x3], $0x4000, $0x38;
	[tilespmem:$0x9C00] =	vst v63  }
0x1c: {  	_ =	swait.ge [sflag:s10], $0x4000  }
0x1d: {  	[sflag:s10] =	ssyncset.done $0x0  }
0x1e: {  	s30 =	simm.s32 $0x100;
	[sflag:s10] =	ssyncadd.s32 $0xFFFFC000  }
0x1f: {  	[tilespmem:s11], [sflag:$0x1] =	stream.indirect.gather [hbm4b:s2+s12], $0x80, s30, s12, $0xb8;
	[tilespmem:$0x9C00] =	vst v63  }
0x20: {  	_ =	swait.ge [sflag:s15], $0x4000  }
0x21: {  	[sflag:s15] =	ssyncset.done $0x0  }
0x22: {  	s31 =	sadd.s32 $0x0, s9;
	[sflag:s15] =	ssyncadd.s32 $0xFFFFC000  }
0x23: {  	[hbm4b:s31+s3] =	stream.linear.scatter [tilespmem:s13], [sflag:$0x3], $0x4000, $0x38;
	[tilespmem:$0x9C00] =	vst v63  }
0x24: {  	_ =	swait.ge [sflag:s10], $0x4000  }
0x25: {  	s19 =	simm.s32 $0x80;
	s18 =	simm.s32 $0x1000;
	[sflag:s10] =	ssyncset.done $0x0  }
.LBB2_2:
0x26: {  	p0 =	sne.s32 s18, $0x17000;
	[sflag:s10] =	ssyncadd.s32 $0xFFFFC000;
	s19 =	sadd.s32 $0x100, s19  }
0x27: {  	[tilespmem:s13], [sflag:$0x2] =	stream.indirect.gather [hbm4b:s2+s12], $0x80, s19, s12, $0xb8;
	[tilespmem:$0x9C00] =	vst v63  }
0x28: {  	s20 =	smov.u32 s18;
	s18 =	sadd.s32 $0x1000, s18;
	_ =	swait.ge [sflag:s14], $0x4000  }
0x29: {  	[sflag:s14] =	ssyncset.done $0x0  }
0x2a: {  	s21 =	sadd.s32 s20, s8;
	[sflag:s14] =	ssyncadd.s32 $0xFFFFC000  }
0x2b: {  	[hbm4b:s21+s3] =	stream.linear.scatter [tilespmem:s11], [sflag:$0x3], $0x4000, $0x38;
	[tilespmem:$0x9C00] =	vst v63  }
0x2c: {  	_ =	swait.ge [sflag:s10], $0x4000  }
0x2d: {  	[sflag:s10] =	ssyncset.done $0x0  }
0x2e: {  	s21 =	sadd.s32 $0x80, s19;
	[sflag:s10] =	ssyncadd.s32 $0xFFFFC000  }
0x2f: {  	[tilespmem:s11], [sflag:$0x1] =	stream.indirect.gather [hbm4b:s2+s12], $0x80, s21, s12, $0xb8;
	[tilespmem:$0x9C00] =	vst v63  }
0x30: {  	_ =	swait.ge [sflag:s15], $0x4000  }
.Ltmp0:
0x31: {  	[sflag:s15] =	ssyncset.done $0x0;
	(pc) =	sbr.rel @p0 .LBB2_2-.Ltmp0, $4  }
0x32: {  	s20 =	sadd.s32 s20, s9;
	[sflag:s15] =	ssyncadd.s32 $0xFFFFC000  }
0x33: {  	[hbm4b:s20+s3] =	stream.linear.scatter [tilespmem:s13], [sflag:$0x3], $0x4000, $0x38;
	[tilespmem:$0x9C00] =	vst v63  }
0x34: {  	_ =	swait.ge [sflag:s10], $0x4000  }
0x35: {  	[sflag:s10] =	ssyncset.done $0x0  }
0x36: {  	[sflag:s10] =	ssyncadd.s32 $0xFFFFC000  }
0x37: {  	[tilespmem:s13], [sflag:$0x2] =	stream.indirect.gather [hbm4b:s2+s12], $0x80, s16, s12, $0xb8;
	[tilespmem:$0x9C00] =	vst v63  }
0x38: {  	_ =	swait.ge [sflag:s14], $0x4000  }
0x39: {  	[sflag:s14] =	ssyncset.done $0x0  }
0x3a: {  	[sflag:s14] =	ssyncadd.s32 $0xFFFFC000  }
0x3b: {  	[hbm4b:s6+s3] =	stream.linear.scatter [tilespmem:s11], [sflag:$0x3], $0x4000, $0x38;
	[tilespmem:$0x9C00] =	vst v63  }
0x3c: {  	_ =	swait.ge [sflag:s10], $0x4000  }
0x3d: {  	[sflag:s10] =	ssyncset.done $0x0  }
0x3e: {  	[sflag:s10] =	ssyncadd.s32 $0xFFFFC000  }
0x3f: {  	s17 =	sadd.s32 $0x1, s17;
	_ =	swait.ge [sflag:s15], $0x4000  }
0x40: {  	p0 =	sne.s32 s17, s5;
	[sflag:s15] =	ssyncset.done $0x0  }
.Ltmp1:
0x41: {  	[sflag:s15] =	ssyncadd.s32 $0xFFFFC000;
	(pc) =	sbr.rel @p0 .LBB2_1-.Ltmp1, $4  }
0x42: {  	[hbm4b:s7+s3] =	stream.linear.scatter [tilespmem:s13], [sflag:$0x3], $0x4000, $0x38;
	[tilespmem:$0x9C00] =	vst v63  }
0x43: {  	_ =	swait.ge [sflag:s10], $0x4000  }
0x44: {  	[sflag:s10] =	ssyncset.done $0x0  }
0x45: {  	[sflag:s10] =	ssyncadd.s32 $0xFFFFC000  }
0x46: {  	_ =	sfence.sel $0x180000  }
0x47: {  	[bflag:$0x0] =	sbarrier.arrive $0xFFFF  }
0x48: {  	p0 =	sne.s32 s0, $0x0;
	_ =	strace $0x90000047  }
0x49: {  	s0 =	sadd.s32 @!p0 $0x100000, s1;
	[bflag:$0x2] =	sbarrier.arrive $0xFFFF  }
0x4a: {  	[sflag:s0] =	ssyncadd.tile.s32 @!p0 $0x1;
	_ =	shalt  }
.Lfunc_end2:
_tile_overlayer_lowered:
.L_overlay_start_2:
0x4b: {  	(tag) =	ssettag $0x2  }
0x4c: {  	s0 =	rddreg [dreg:$0x0];
	s2 =	stileid.u32  }
0x4d: {  	s1 =	rddreg [dreg:$0x1];
	p0 =	sne.s32 s2, $0x0  }
0x4e: {  	s3 =	rddreg [dreg:$0x2];
	[bflag:$0x3] =	sbarrier.arrive $0xFFFF;
	s2 =	simm.s32 @!p0 $0x1C03  }
0x4f: {  	[timem:s3], [sflag:s2] =	dma.local @!p0 [hbm:s0], s1  }
0x50: {  	s0 =	simm.s32 @!p0 $0x3  }
0x51: {  	_ =	swait.ge @!p0 [sflag:s0], s1  }
0x52: {  	s1 =	ssub.s32 @!p0 $0x0, s1;
	[sflag:s0] =	ssyncset.done @!p0 $0x0  }
0x53: {  	[sflag:s0] =	ssyncadd.s32 @!p0 s1  }
0x54: {  	[bflag:$0x3] =	sbarrier.arrive $0xFFFF  }
0x55: {  	_ =	shalt  }

</sc_bundles>
